<compile_context>
chip_gen: v7x
topology: tpu7x:2x2x1
jax: 0.10.2.dev20260603
libtpu: 0.0.44.dev20260713+nightly
codegen_flags: <defaults>
</compile_context>

<pallas_src>
import functools

import jax
import jax.numpy as jnp
from jax import lax
from jax.experimental import pallas as pl
from jax.experimental.pallas import tpu as pltpu
from jax.experimental.pallas import tpu_sc as plsc

B = 32
V = 1_000_000
L = 16
LANES = 128
BV = 65536
G = BV // LANES
NBLK = (V + BV - 1) // BV
NEG_HUGE = -3.4028235e38
IMAX = 2**31 - 1

_mesh = plsc.VectorSubcoreMesh(core_axis_name="c", subcore_axis_name="s")


def _tc_body(a_ref, x_ref, logz_ref, mode_ref, gtab_ref, m_s, s_s, i_s, g_s):
    k = pl.program_id(0)

    @pl.when(k == 0)
    def _():
        m_s[...] = jnp.full((B, LANES), NEG_HUGE, jnp.float32)
        s_s[...] = jnp.zeros((B, LANES), jnp.float32)
        i_s[...] = jnp.zeros((B, LANES), jnp.int32)
        g_s[...] = jnp.zeros((B, LANES), jnp.float32)

    def process(x3):
        bm = jnp.max(x3, axis=1)
        m_old = m_s[...]
        m_new = jnp.maximum(m_old, bm)
        bs = jnp.sum(jnp.exp(x3 - m_new[:, None, :]), axis=1)
        s_s[...] = s_s[...] * jnp.exp(m_old - m_new) + bs
        m_s[...] = m_new

        ag = a_ref[...][:, :, None] // LANES - k * G
        mg = lax.broadcasted_iota(jnp.int32, (B, G, 1), 1) == ag
        g_s[...] += jnp.sum(jnp.where(mg, x3, 0.0), axis=1)

        giota = lax.broadcasted_iota(jnp.int32, (B, G, 1), 1)
        bg = jnp.min(jnp.where(x3 == bm[:, None, :], giota, IMAX), axis=1)
        lane = lax.broadcasted_iota(jnp.int32, (B, LANES), 1)
        elem = k * BV + bg * LANES + lane
        i_s[...] = jnp.where(bm > m_old, elem, i_s[...])

    @pl.when(k < NBLK - 1)
    def _():
        process(x_ref[...].reshape(B, G, LANES))

    @pl.when(k == NBLK - 1)
    def _():
        x3 = x_ref[...].reshape(B, G, LANES)
        offs = (k * BV
                + lax.broadcasted_iota(jnp.int32, (B, G, LANES), 1) * LANES
                + lax.broadcasted_iota(jnp.int32, (B, G, LANES), 2))
        process(jnp.where(offs < V, x3, NEG_HUGE))

        m_l = m_s[...]
        M = jnp.max(m_l, axis=1, keepdims=True)
        S = jnp.sum(s_s[...] * jnp.exp(m_l - M), axis=1, keepdims=True)
        logz_ref[...] = M + jnp.log(S)
        cand = jnp.where(m_l == M, i_s[...], IMAX)
        mode_ref[...] = jnp.min(cand, axis=1, keepdims=True)
        gtab_ref[...] = g_s[...]


_tc_reduce = pl.pallas_call(
    _tc_body,
    grid=(NBLK,),
    in_specs=[
        pl.BlockSpec((B, 1), lambda k: (0, 0)),
        pl.BlockSpec((B, BV), lambda k: (0, k)),
    ],
    out_specs=[
        pl.BlockSpec((B, 1), lambda k: (0, 0)),
        pl.BlockSpec((B, 1), lambda k: (0, 0)),
        pl.BlockSpec((B, LANES), lambda k: (0, 0)),
    ],
    out_shape=(
        jax.ShapeDtypeStruct((B, 1), jnp.float32),
        jax.ShapeDtypeStruct((B, 1), jnp.int32),
        jax.ShapeDtypeStruct((B, LANES), jnp.float32),
    ),
    scratch_shapes=[
        pltpu.VMEM((B, LANES), jnp.float32),
        pltpu.VMEM((B, LANES), jnp.float32),
        pltpu.VMEM((B, LANES), jnp.int32),
        pltpu.VMEM((B, LANES), jnp.float32),
    ],
    compiler_params=pltpu.CompilerParams(
        dimension_semantics=("arbitrary",),
    ),
)


@functools.partial(
    pl.kernel,
    out_type=jax.ShapeDtypeStruct((B,), jnp.float32),
    mesh=_mesh,
    scratch_types=(
        pltpu.VMEM((B,), jnp.int32),
        pltpu.VMEM((B,), jnp.int32),
        pltpu.VMEM((B,), jnp.float32),
        pltpu.VMEM((B,), jnp.float32),
        pltpu.VMEM((B,), jnp.float32),
        pltpu.SemaphoreType.DMA,
    ),
)
def _sc_lp(gtab_hbm, actions_hbm, logz_hbm, lp_hbm,
           abuf, idxbuf, gbuf, zbuf, lpbuf, semg):
    wid = lax.axis_index("c") * 16 + lax.axis_index("s")

    @pl.when(wid == 0)
    def _():
        pltpu.sync_copy(actions_hbm, abuf)
        pltpu.sync_copy(logz_hbm, zbuf)
        for h in range(B // L):
            av = abuf[pl.ds(h * L, L)]
            rowbase = (lax.iota(jnp.int32, L) + h * L) * LANES
            idxbuf[pl.ds(h * L, L)] = rowbase + lax.rem(av, LANES)
        pltpu.async_copy(gtab_hbm.at[idxbuf], gbuf, semg).wait()
        for h in range(B // L):
            sl = pl.ds(h * L, L)
            lpbuf[sl] = gbuf[sl] - zbuf[sl]
        pltpu.sync_copy(lpbuf, lp_hbm)


def kernel(logits, actions):
    a32 = actions.reshape(B).astype(jnp.int32)
    logz, mode, gtab = _tc_reduce(a32.reshape(B, 1), logits)
    lp = _sc_lp(gtab.reshape(B * LANES), a32, logz.reshape(B))
    return (lp.reshape(B, 1), mode)

# --- scband reference (transcript-rebuilt; emitter-appended) ---
"""Pipeline reference for scband-categorical-pd-type-84894323572814 (READ-ONLY COPY).

The authoritative reference and input builder live on the scoring server;
editing this copy changes nothing except your own understanding.
"""

import jax, jax.numpy as jnp
import numpy as np

B = 32
V = 1000000

def setup_inputs(seed: int = 0) -> dict:
    key = jax.random.key(seed)
    k1, k2 = jax.random.split(key)
    logits = jax.random.normal(k1, (B, V), dtype=jnp.float32)
    actions = jax.random.randint(k2, (B, 1), 0, V).astype(jnp.int64)
    return {"logits": logits, "actions": actions}

def reference(logits, actions):
    # CategoricalPdType.log_probs: log_prob(actions.squeeze(-1)).view(B,-1).sum(-1).unsqueeze(-1)
    logp = jax.nn.log_softmax(logits, axis=-1)
    a = actions.reshape(actions.shape[0], 1)
    lp = jnp.take_along_axis(logp, a, axis=-1)  # [B, 1]
    log_probs = lp.reshape(actions.shape[0], -1).sum(-1)[:, None]  # [B, 1]
    # mode(): probs.argmax(dim=-1, keepdim=True) -- argmax of softmax == argmax of logits
    mode = jnp.argmax(logits, axis=-1, keepdims=True)
    return (log_probs, mode)

if __name__ == "__main__":
    import jax
    _d = setup_inputs()
    print(jax.jit(kernel)(*tuple(_d.values())))

</pallas_src>

<mosaic_0001>
#map = affine_map<(d0, d1) -> (0)>
module attributes {stable_mosaic.version = 14 : i64} {
  func.func @_sc_lp(%arg0: i32, %arg1: i32, %arg2: memref<4096xf32, #tpu.memory_space<hbm>>, %arg3: memref<32xi32, #tpu.memory_space<hbm>>, %arg4: memref<32xf32, #tpu.memory_space<hbm>>, %arg5: memref<32xf32, #tpu.memory_space<hbm>>, %arg6: memref<32xi32, #tpu.memory_space<vmem>>, %arg7: memref<32xi32, #tpu.memory_space<vmem>>, %arg8: memref<32xf32, #tpu.memory_space<vmem>>, %arg9: memref<32xf32, #tpu.memory_space<vmem>>, %arg10: memref<32xf32, #tpu.memory_space<vmem>>, %arg11: memref<!tpu.dma_semaphore, #tpu.memory_space<semaphore_mem>>) attributes {dimension_semantics = [#tpu.dimension_semantics<core_parallel>, #tpu.dimension_semantics<subcore_parallel>], iteration_bounds = array<i64: 2, 16>, scalar_prefetch = 0 : i64, scratch_operands = 6 : i64, tpu.core_type = #tpu.core_type<sc_vector_subcore>, window_params = [{transform_indices = #map}, {transform_indices = #map}, {transform_indices = #map}, {transform_indices = #map}]} {
    %mul3A = arith.constant 16 : i32
    %mul3A_0 = arith.muli %arg0, %mul3A : i32
    %add3A = arith.addi %mul3A_0, %arg1 : i32
    %eq3A = arith.constant 0 : i32
    %eq3A_1 = arith.cmpi eq, %add3A, %eq3A : i32
    %convert_element_type3A = arith.extui %eq3A_1 : i1 to i32
    %cond3A = arith.constant 0 : i32
    %cond3A_2 = arith.cmpi ne, %convert_element_type3A, %cond3A : i32
    scf.if %cond3A_2 {
      "tpu.region"() ({
        %run_scoped3A = tpu.sem_alloc : memref<!tpu.dma_semaphore, #tpu.memory_space<semaphore_mem>>
        tpu.enqueue_dma source(%arg3 : memref<32xi32, #tpu.memory_space<hbm>>) target(%arg6 : memref<32xi32, #tpu.memory_space<vmem>>) target_semaphore(%run_scoped3A : memref<!tpu.dma_semaphore, #tpu.memory_space<semaphore_mem>>)
        tpu.wait_dma2 semaphore(%run_scoped3A : memref<!tpu.dma_semaphore, #tpu.memory_space<semaphore_mem>>) src(%arg3 : memref<32xi32, #tpu.memory_space<hbm>>) dst(%arg6 : memref<32xi32, #tpu.memory_space<vmem>>)
        tpu.yield
      }) : () -> ()
      "tpu.region"() ({
        %run_scoped3A = tpu.sem_alloc : memref<!tpu.dma_semaphore, #tpu.memory_space<semaphore_mem>>
        tpu.enqueue_dma source(%arg4 : memref<32xf32, #tpu.memory_space<hbm>>) target(%arg9 : memref<32xf32, #tpu.memory_space<vmem>>) target_semaphore(%run_scoped3A : memref<!tpu.dma_semaphore, #tpu.memory_space<semaphore_mem>>)
        tpu.wait_dma2 semaphore(%run_scoped3A : memref<!tpu.dma_semaphore, #tpu.memory_space<semaphore_mem>>) src(%arg4 : memref<32xf32, #tpu.memory_space<hbm>>) dst(%arg9 : memref<32xf32, #tpu.memory_space<vmem>>)
        tpu.yield
      }) : () -> ()
      %get3A = arith.constant 0 : index
      %get3A_3 = tpu.vector_load %arg6[%get3A] {strides = array<i32>} : memref<32xi32, #tpu.memory_space<vmem>>, vector<16xi32>,
      %get3A_4 = vector.shape_cast %get3A_3 : vector<16xi32> to vector<16xi32>
      %iota3A = tpu.iota {dimensions = array<i32: 0>} : vector<16xi32>
      %add3A_5 = arith.constant 0 : i32
      %add3A_6 = vector.broadcast %add3A_5 : i32 to vector<16xi32>
      %add3A_7 = arith.addi %iota3A, %add3A_6 : vector<16xi32>
      %mul3A_8 = arith.constant 128 : i32
      %mul3A_9 = vector.broadcast %mul3A_8 : i32 to vector<16xi32>
      %mul3A_10 = arith.muli %add3A_7, %mul3A_9 : vector<16xi32>
      %rem3A = arith.constant 128 : i32
      %rem3A_11 = vector.broadcast %rem3A : i32 to vector<16xi32>
      %rem3A_12 = arith.remsi %get3A_4, %rem3A_11 : vector<16xi32>
      %add3A_13 = arith.addi %mul3A_10, %rem3A_12 : vector<16xi32>
      %swap3A = arith.constant 0 : index
      %swap3A_14 = tpu.vector_load %arg7[%swap3A] {strides = array<i32>} : memref<32xi32, #tpu.memory_space<vmem>>, vector<16xi32>,
      %swap3A_15 = vector.shape_cast %swap3A_14 : vector<16xi32> to vector<16xi32>
      %swap3A_16 = vector.shape_cast %add3A_13 : vector<16xi32> to vector<16xi32>
      tpu.vector_store %arg7[%swap3A], %swap3A_16 {strides = array<i32>} : memref<32xi32, #tpu.memory_space<vmem>>, vector<16xi32>,
      %get3A_17 = arith.constant 16 : index
      %get3A_18 = tpu.vector_load %arg6[%get3A_17] {strides = array<i32>} : memref<32xi32, #tpu.memory_space<vmem>>, vector<16xi32>,
      %get3A_19 = vector.shape_cast %get3A_18 : vector<16xi32> to vector<16xi32>
      %iota3A_20 = tpu.iota {dimensions = array<i32: 0>} : vector<16xi32>
      %add3A_21 = arith.constant 16 : i32
      %add3A_22 = vector.broadcast %add3A_21 : i32 to vector<16xi32>
      %add3A_23 = arith.addi %iota3A_20, %add3A_22 : vector<16xi32>
      %mul3A_24 = arith.constant 128 : i32
      %mul3A_25 = vector.broadcast %mul3A_24 : i32 to vector<16xi32>
      %mul3A_26 = arith.muli %add3A_23, %mul3A_25 : vector<16xi32>
      %rem3A_27 = arith.constant 128 : i32
      %rem3A_28 = vector.broadcast %rem3A_27 : i32 to vector<16xi32>
      %rem3A_29 = arith.remsi %get3A_19, %rem3A_28 : vector<16xi32>
      %add3A_30 = arith.addi %mul3A_26, %rem3A_29 : vector<16xi32>
      %swap3A_31 = arith.constant 16 : index
      %swap3A_32 = tpu.vector_load %arg7[%swap3A_31] {strides = array<i32>} : memref<32xi32, #tpu.memory_space<vmem>>, vector<16xi32>,
      %swap3A_33 = vector.shape_cast %swap3A_32 : vector<16xi32> to vector<16xi32>
      %swap3A_34 = vector.shape_cast %add3A_30 : vector<16xi32> to vector<16xi32>
      tpu.vector_store %arg7[%swap3A_31], %swap3A_34 {strides = array<i32>} : memref<32xi32, #tpu.memory_space<vmem>>, vector<16xi32>,
      %dma_start3A = arith.constant 0 : i32
      %dma_start3A_35 = tpu.memref_slice %arg2[%dma_start3A] : memref<4096xf32, #tpu.memory_space<hbm>> -> memref<4096xf32, #tpu.memory_space<hbm>>
      tpu.enqueue_indirect_dma source(%dma_start3A_35 : memref<4096xf32, #tpu.memory_space<hbm>>) target(%arg8 : memref<32xf32, #tpu.memory_space<vmem>>) offsets(%arg7 : memref<32xi32, #tpu.memory_space<vmem>>) semaphore(%arg11 : memref<!tpu.dma_semaphore, #tpu.memory_space<semaphore_mem>>)
      %dma_wait3A = arith.constant 0 : i32
      %dma_wait3A_36 = tpu.memref_slice %arg2[%dma_wait3A] : memref<4096xf32, #tpu.memory_space<hbm>> -> memref<4096xf32, #tpu.memory_space<hbm>>
      tpu.wait_indirect_dma semaphore(%arg11 : memref<!tpu.dma_semaphore, #tpu.memory_space<semaphore_mem>>) src(%dma_wait3A_36 : memref<4096xf32, #tpu.memory_space<hbm>>) dst(%arg8 : memref<32xf32, #tpu.memory_space<vmem>>)
      %get3A_37 = arith.constant 0 : index
      %get3A_38 = tpu.vector_load %arg8[%get3A_37] {strides = array<i32>} : memref<32xf32, #tpu.memory_space<vmem>>, vector<16xf32>,
      %get3A_39 = vector.shape_cast %get3A_38 : vector<16xf32> to vector<16xf32>
      %get3A_40 = arith.constant 0 : index
      %get3A_41 = tpu.vector_load %arg9[%get3A_40] {strides = array<i32>} : memref<32xf32, #tpu.memory_space<vmem>>, vector<16xf32>,
      %get3A_42 = vector.shape_cast %get3A_41 : vector<16xf32> to vector<16xf32>
      %sub3A = arith.subf %get3A_39, %get3A_42 : vector<16xf32>
      %swap3A_43 = arith.constant 0 : index
      %swap3A_44 = tpu.vector_load %arg10[%swap3A_43] {strides = array<i32>} : memref<32xf32, #tpu.memory_space<vmem>>, vector<16xf32>,
      %swap3A_45 = vector.shape_cast %swap3A_44 : vector<16xf32> to vector<16xf32>
      %swap3A_46 = vector.shape_cast %sub3A : vector<16xf32> to vector<16xf32>
      tpu.vector_store %arg10[%swap3A_43], %swap3A_46 {strides = array<i32>} : memref<32xf32, #tpu.memory_space<vmem>>, vector<16xf32>,
      %get3A_47 = arith.constant 16 : index
      %get3A_48 = tpu.vector_load %arg8[%get3A_47] {strides = array<i32>} : memref<32xf32, #tpu.memory_space<vmem>>, vector<16xf32>,
      %get3A_49 = vector.shape_cast %get3A_48 : vector<16xf32> to vector<16xf32>
      %get3A_50 = arith.constant 16 : index
      %get3A_51 = tpu.vector_load %arg9[%get3A_50] {strides = array<i32>} : memref<32xf32, #tpu.memory_space<vmem>>, vector<16xf32>,
      %get3A_52 = vector.shape_cast %get3A_51 : vector<16xf32> to vector<16xf32>
      %sub3A_53 = arith.subf %get3A_49, %get3A_52 : vector<16xf32>
      %swap3A_54 = arith.constant 16 : index
      %swap3A_55 = tpu.vector_load %arg10[%swap3A_54] {strides = array<i32>} : memref<32xf32, #tpu.memory_space<vmem>>, vector<16xf32>,
      %swap3A_56 = vector.shape_cast %swap3A_55 : vector<16xf32> to vector<16xf32>
      %swap3A_57 = vector.shape_cast %sub3A_53 : vector<16xf32> to vector<16xf32>
      tpu.vector_store %arg10[%swap3A_54], %swap3A_57 {strides = array<i32>} : memref<32xf32, #tpu.memory_space<vmem>>, vector<16xf32>,
      "tpu.region"() ({
        %run_scoped3A = tpu.sem_alloc : memref<!tpu.dma_semaphore, #tpu.memory_space<semaphore_mem>>
        tpu.enqueue_dma source(%arg10 : memref<32xf32, #tpu.memory_space<vmem>>) target(%arg5 : memref<32xf32, #tpu.memory_space<hbm>>) target_semaphore(%run_scoped3A : memref<!tpu.dma_semaphore, #tpu.memory_space<semaphore_mem>>)
        tpu.wait_dma2 semaphore(%run_scoped3A : memref<!tpu.dma_semaphore, #tpu.memory_space<semaphore_mem>>) src(%arg10 : memref<32xf32, #tpu.memory_space<vmem>>) dst(%arg5 : memref<32xf32, #tpu.memory_space<hbm>>)
        tpu.yield
      }) : () -> ()
    } else {
    }
    return
  }
}

module attributes {stable_mosaic.version = 14 : i64} {
  func.func @_tc_body(%arg0: i32, %arg1: memref<32x1xi32, #tpu.memory_space<vmem>>, %arg2: memref<32x65536xf32, #tpu.memory_space<vmem>>, %arg3: memref<32x1xf32, #tpu.memory_space<vmem>>, %arg4: memref<32x1xi32, #tpu.memory_space<vmem>>, %arg5: memref<32x128xf32, #tpu.memory_space<vmem>>, %arg6: memref<32x128xf32, #tpu.memory_space<vmem>>, %arg7: memref<32x128xf32, #tpu.memory_space<vmem>>, %arg8: memref<32x128xi32, #tpu.memory_space<vmem>>, %arg9: memref<32x128xf32, #tpu.memory_space<vmem>>) attributes {dimension_semantics = [#tpu.dimension_semantics<arbitrary>], iteration_bounds = array<i64: 16>, scalar_prefetch = 0 : i64, scratch_operands = 4 : i64, tpu.core_type = #tpu.core_type<tc>, window_params = [{pipeline_mode = #tpu.pipeline_mode<synchronous>, transform_indices = @transform_0, window_bounds = array<i64: 32, 1>}, {transform_indices = @transform_1, window_bounds = array<i64: 32, 65536>}, {pipeline_mode = #tpu.pipeline_mode<synchronous>, transform_indices = @transform_2, window_bounds = array<i64: 32, 1>}, {pipeline_mode = #tpu.pipeline_mode<synchronous>, transform_indices = @transform_3, window_bounds = array<i64: 32, 1>}, {pipeline_mode = #tpu.pipeline_mode<synchronous>, transform_indices = @transform_4, window_bounds = array<i64: 32, 128>}]} {
    %eq3A = arith.constant 0 : i32
    %eq3A_0 = arith.cmpi eq, %arg0, %eq3A : i32
    %convert_element_type3A = arith.extui %eq3A_0 : i1 to i32
    %cond3A = arith.constant 0 : i32
    %cond3A_1 = arith.cmpi ne, %convert_element_type3A, %cond3A : i32
    scf.if %cond3A_1 {
      %broadcast_in_dim3A = arith.constant -3.40282347E+38 : f32
      %broadcast_in_dim3A_11 = vector.broadcast %broadcast_in_dim3A : f32 to vector<32x128xf32>
      %swap3A = arith.constant 0 : index
      %swap3A_12 = arith.constant 0 : index
      %swap3A_13 = vector.load %arg6[%swap3A, %swap3A_12] : memref<32x128xf32, #tpu.memory_space<vmem>>, vector<32x128xf32>
      tpu.vector_store %arg6[%swap3A, %swap3A_12], %broadcast_in_dim3A_11 {strides = array<i32>} : memref<32x128xf32, #tpu.memory_space<vmem>>, vector<32x128xf32>,
      %broadcast_in_dim3A_14 = arith.constant 0.000000e+00 : f32
      %broadcast_in_dim3A_15 = vector.broadcast %broadcast_in_dim3A_14 : f32 to vector<32x128xf32>
      %swap3A_16 = arith.constant 0 : index
      %swap3A_17 = arith.constant 0 : index
      %swap3A_18 = vector.load %arg7[%swap3A_16, %swap3A_17] : memref<32x128xf32, #tpu.memory_space<vmem>>, vector<32x128xf32>
      tpu.vector_store %arg7[%swap3A_16, %swap3A_17], %broadcast_in_dim3A_15 {strides = array<i32>} : memref<32x128xf32, #tpu.memory_space<vmem>>, vector<32x128xf32>,
      %broadcast_in_dim3A_19 = arith.constant 0 : i32
      %broadcast_in_dim3A_20 = vector.broadcast %broadcast_in_dim3A_19 : i32 to vector<32x128xi32>
      %swap3A_21 = arith.constant 0 : index
      %swap3A_22 = arith.constant 0 : index
      %swap3A_23 = vector.load %arg8[%swap3A_21, %swap3A_22] : memref<32x128xi32, #tpu.memory_space<vmem>>, vector<32x128xi32>
      tpu.vector_store %arg8[%swap3A_21, %swap3A_22], %broadcast_in_dim3A_20 {strides = array<i32>} : memref<32x128xi32, #tpu.memory_space<vmem>>, vector<32x128xi32>,
      %broadcast_in_dim3A_24 = arith.constant 0.000000e+00 : f32
      %broadcast_in_dim3A_25 = vector.broadcast %broadcast_in_dim3A_24 : f32 to vector<32x128xf32>
      %swap3A_26 = arith.constant 0 : index
      %swap3A_27 = arith.constant 0 : index
      %swap3A_28 = vector.load %arg9[%swap3A_26, %swap3A_27] : memref<32x128xf32, #tpu.memory_space<vmem>>, vector<32x128xf32>
      tpu.vector_store %arg9[%swap3A_26, %swap3A_27], %broadcast_in_dim3A_25 {strides = array<i32>} : memref<32x128xf32, #tpu.memory_space<vmem>>, vector<32x128xf32>,
    } else {
    }
    %lt3A = arith.constant 15 : i32
    %lt3A_2 = arith.cmpi slt, %arg0, %lt3A : i32
    %convert_element_type3A_3 = arith.extui %lt3A_2 : i1 to i32
    %cond3A_4 = arith.constant 0 : i32
    %cond3A_5 = arith.cmpi ne, %convert_element_type3A_3, %cond3A_4 : i32
    scf.if %cond3A_5 {
      %get3A = arith.constant 0 : index
      %get3A_11 = arith.constant 0 : index
      %get3A_12 = vector.load %arg2[%get3A, %get3A_11] : memref<32x65536xf32, #tpu.memory_space<vmem>>, vector<32x65536xf32>
      %reshape3A = vector.shape_cast %get3A_12 : vector<32x65536xf32> to vector<32x512x128xf32>
      %reduce_max3A = arith.constant dense<0xFF800000> : vector<32x128xf32>
      %reduce_max3A_13 = vector.multi_reduction <maximumf>, %reshape3A, %reduce_max3A [1] : vector<32x512x128xf32> to vector<32x128xf32>
      %get3A_14 = arith.constant 0 : index
      %get3A_15 = arith.constant 0 : index
      %get3A_16 = vector.load %arg6[%get3A_14, %get3A_15] : memref<32x128xf32, #tpu.memory_space<vmem>>, vector<32x128xf32>
      %max3A = arith.maximumf %get3A_16, %reduce_max3A_13 : vector<32x128xf32>
      %broadcast_in_dim3A = vector.shape_cast %max3A : vector<32x128xf32> to vector<32x1x128xf32>
      %sub3A = vector.broadcast %broadcast_in_dim3A : vector<32x1x128xf32> to vector<32x512x128xf32>
      %sub3A_17 = arith.subf %reshape3A, %sub3A : vector<32x512x128xf32>
      %exp3A = math.exp %sub3A_17 : vector<32x512x128xf32>
      %reduce_sum3A = arith.constant dense<0.000000e+00> : vector<32x128xf32>
      %reduce_sum3A_18 = vector.multi_reduction <add>, %exp3A, %reduce_sum3A [1] : vector<32x512x128xf32> to vector<32x128xf32>
      %get3A_19 = arith.constant 0 : index
      %get3A_20 = arith.constant 0 : index
      %get3A_21 = vector.load %arg7[%get3A_19, %get3A_20] : memref<32x128xf32, #tpu.memory_space<vmem>>, vector<32x128xf32>
      %sub3A_22 = arith.subf %get3A_16, %max3A : vector<32x128xf32>
      %exp3A_23 = math.exp %sub3A_22 : vector<32x128xf32>
      %mul3A = arith.mulf %get3A_21, %exp3A_23 : vector<32x128xf32>
      %add3A = arith.addf %mul3A, %reduce_sum3A_18 : vector<32x128xf32>
      %swap3A = arith.constant 0 : index
      %swap3A_24 = arith.constant 0 : index
      %swap3A_25 = vector.load %arg7[%swap3A, %swap3A_24] : memref<32x128xf32, #tpu.memory_space<vmem>>, vector<32x128xf32>
      tpu.vector_store %arg7[%swap3A, %swap3A_24], %add3A {strides = array<i32>} : memref<32x128xf32, #tpu.memory_space<vmem>>, vector<32x128xf32>,
      %swap3A_26 = arith.constant 0 : index
      %swap3A_27 = arith.constant 0 : index
      %swap3A_28 = vector.load %arg6[%swap3A_26, %swap3A_27] : memref<32x128xf32, #tpu.memory_space<vmem>>, vector<32x128xf32>
      tpu.vector_store %arg6[%swap3A_26, %swap3A_27], %max3A {strides = array<i32>} : memref<32x128xf32, #tpu.memory_space<vmem>>, vector<32x128xf32>,
      %get3A_29 = arith.constant 0 : index
      %get3A_30 = arith.constant 0 : index
      %get3A_31 = vector.load %arg1[%get3A_29, %get3A_30] : memref<32x1xi32, #tpu.memory_space<vmem>>, vector<32x1xi32>
      %broadcast_in_dim3A_32 = vector.shape_cast %get3A_31 : vector<32x1xi32> to vector<32x1x1xi32>
      %jit3A = arith.constant 128 : i32
      %div3A = vector.broadcast %jit3A : i32 to vector<32x1x1xi32>
      %div3A_33 = arith.divsi %broadcast_in_dim3A_32, %div3A : vector<32x1x1xi32>
      %sign3A = arith.constant 0 : i32
      %sign3A_34 = vector.broadcast %sign3A : i32 to vector<32x1x1xi32>
      %sign3A_35 = arith.cmpi sgt, %broadcast_in_dim3A_32, %sign3A_34 : vector<32x1x1xi32>
      %sign3A_36 = arith.extui %sign3A_35 : vector<32x1x1xi1> to vector<32x1x1xi32>
      %sign3A_37 = arith.constant 0 : i32
      %sign3A_38 = vector.broadcast %sign3A_37 : i32 to vector<32x1x1xi32>
      %sign3A_39 = arith.cmpi slt, %broadcast_in_dim3A_32, %sign3A_38 : vector<32x1x1xi32>
      %sign3A_40 = arith.extui %sign3A_39 : vector<32x1x1xi1> to vector<32x1x1xi32>
      %sign3A_41 = arith.subi %sign3A_36, %sign3A_40 : vector<32x1x1xi32>
      %sign3A_42 = arith.constant 0 : i32
      %sign3A_43 = arith.cmpi sgt, %jit3A, %sign3A_42 : i32
      %sign3A_44 = arith.extui %sign3A_43 : i1 to i32
      %sign3A_45 = arith.constant 0 : i32
      %sign3A_46 = arith.cmpi slt, %jit3A, %sign3A_45 : i32
      %sign3A_47 = arith.extui %sign3A_46 : i1 to i32
      %sign3A_48 = arith.subi %sign3A_44, %sign3A_47 : i32
      %ne3A = vector.broadcast %sign3A_48 : i32 to vector<32x1x1xi32>
      %ne3A_49 = arith.cmpi ne, %sign3A_41, %ne3A : vector<32x1x1xi32>
      %rem3A = vector.broadcast %jit3A : i32 to vector<32x1x1xi32>
      %rem3A_50 = arith.remsi %broadcast_in_dim3A_32, %rem3A : vector<32x1x1xi32>
      %ne3A_51 = arith.constant 0 : i32
      %ne3A_52 = vector.broadcast %ne3A_51 : i32 to vector<32x1x1xi32>
      %ne3A_53 = arith.cmpi ne, %rem3A_50, %ne3A_52 : vector<32x1x1xi32>
      %and3A = arith.andi %ne3A_49, %ne3A_53 : vector<32x1x1xi1>
      %sub3A_54 = arith.constant 1 : i32
      %sub3A_55 = vector.broadcast %sub3A_54 : i32 to vector<32x1x1xi32>
      %sub3A_56 = arith.subi %div3A_33, %sub3A_55 : vector<32x1x1xi32>
      %select_n3A = arith.select %and3A, %sub3A_56, %div3A_33 : vector<32x1x1xi1>, vector<32x1x1xi32>
      %mul3A_57 = arith.constant 512 : i32
      %mul3A_58 = arith.muli %arg0, %mul3A_57 : i32
      %sub3A_59 = vector.broadcast %mul3A_58 : i32 to vector<32x1x1xi32>
      %sub3A_60 = arith.subi %select_n3A, %sub3A_59 : vector<32x1x1xi32>
      %iota3A = tpu.iota {dimensions = array<i32: 1>} : vector<32x512x1xi32>
      %eq3A_61 = vector.broadcast %sub3A_60 : vector<32x1x1xi32> to vector<32x512x1xi32>
      %eq3A_62 = arith.cmpi eq, %iota3A, %eq3A_61 : vector<32x512x1xi32>
      %get3A_63 = arith.constant 0 : index
      %get3A_64 = arith.constant 0 : index
      %get3A_65 = vector.load %arg9[%get3A_63, %get3A_64] : memref<32x128xf32, #tpu.memory_space<vmem>>, vector<32x128xf32>
      %jit3A_66 = arith.constant 0.000000e+00 : f32
      %broadcast_in_dim3A_67 = vector.shape_cast %eq3A_62 : vector<32x512x1xi1> to vector<32x512x1xi1>
      %broadcast_in_dim3A_68 = vector.broadcast %broadcast_in_dim3A_67 : vector<32x512x1xi1> to vector<32x512x128xi1>
      %broadcast_in_dim3A_69 = vector.broadcast %jit3A_66 : f32 to vector<32x512x128xf32>
      %select_n3A_70 = arith.select %broadcast_in_dim3A_68, %reshape3A, %broadcast_in_dim3A_69 : vector<32x512x128xi1>, vector<32x512x128xf32>
      %reduce_sum3A_71 = arith.constant dense<0.000000e+00> : vector<32x128xf32>
      %reduce_sum3A_72 = vector.multi_reduction <add>, %select_n3A_70, %reduce_sum3A_71 [1] : vector<32x512x128xf32> to vector<32x128xf32>
      %add3A_73 = arith.addf %get3A_65, %reduce_sum3A_72 : vector<32x128xf32>
      %swap3A_74 = arith.constant 0 : index
      %swap3A_75 = arith.constant 0 : index
      %swap3A_76 = vector.load %arg9[%swap3A_74, %swap3A_75] : memref<32x128xf32, #tpu.memory_space<vmem>>, vector<32x128xf32>
      tpu.vector_store %arg9[%swap3A_74, %swap3A_75], %add3A_73 {strides = array<i32>} : memref<32x128xf32, #tpu.memory_space<vmem>>, vector<32x128xf32>,
      %iota3A_77 = tpu.iota {dimensions = array<i32: 1>} : vector<32x512x1xi32>
      %broadcast_in_dim3A_78 = vector.shape_cast %reduce_max3A_13 : vector<32x128xf32> to vector<32x1x128xf32>
      %eq3A_79 = vector.broadcast %broadcast_in_dim3A_78 : vector<32x1x128xf32> to vector<32x512x128xf32>
      %eq3A_80 = arith.cmpf oeq, %reshape3A, %eq3A_79 : vector<32x512x128xf32>
      %jit3A_81 = arith.constant 2147483647 : i32
      %broadcast_in_dim3A_82 = vector.shape_cast %iota3A_77 : vector<32x512x1xi32> to vector<32x512x1xi32>
      %broadcast_in_dim3A_83 = vector.broadcast %broadcast_in_dim3A_82 : vector<32x512x1xi32> to vector<32x512x128xi32>
      %broadcast_in_dim3A_84 = vector.broadcast %jit3A_81 : i32 to vector<32x512x128xi32>
      %select_n3A_85 = arith.select %eq3A_80, %broadcast_in_dim3A_83, %broadcast_in_dim3A_84 : vector<32x512x128xi1>, vector<32x512x128xi32>
      %reduce_min3A = arith.constant dense<2147483647> : vector<32x128xi32>
      %reduce_min3A_86 = vector.multi_reduction <minsi>, %select_n3A_85, %reduce_min3A [1] : vector<32x512x128xi32> to vector<32x128xi32>
      %iota3A_87 = tpu.iota {dimensions = array<i32: 1>} : vector<32x128xi32>
      %mul3A_88 = arith.constant 65536 : i32
      %mul3A_89 = arith.muli %arg0, %mul3A_88 : i32
      %mul3A_90 = arith.constant 128 : i32
      %mul3A_91 = vector.broadcast %mul3A_90 : i32 to vector<32x128xi32>
      %mul3A_92 = arith.muli %reduce_min3A_86, %mul3A_91 : vector<32x128xi32>
      %add3A_93 = vector.broadcast %mul3A_89 : i32 to vector<32x128xi32>
      %add3A_94 = arith.addi %add3A_93, %mul3A_92 : vector<32x128xi32>
      %add3A_95 = arith.addi %add3A_94, %iota3A_87 : vector<32x128xi32>
      %gt3A = arith.cmpf ogt, %reduce_max3A_13, %get3A_16 : vector<32x128xf32>
      %get3A_96 = arith.constant 0 : index
      %get3A_97 = arith.constant 0 : index
      %get3A_98 = vector.load %arg8[%get3A_96, %get3A_97] : memref<32x128xi32, #tpu.memory_space<vmem>>, vector<32x128xi32>
      %select_n3A_99 = arith.select %gt3A, %add3A_95, %get3A_98 : vector<32x128xi1>, vector<32x128xi32>
      %swap3A_100 = arith.constant 0 : index
      %swap3A_101 = arith.constant 0 : index
      %swap3A_102 = vector.load %arg8[%swap3A_100, %swap3A_101] : memref<32x128xi32, #tpu.memory_space<vmem>>, vector<32x128xi32>
      tpu.vector_store %arg8[%swap3A_100, %swap3A_101], %select_n3A_99 {strides = array<i32>} : memref<32x128xi32, #tpu.memory_space<vmem>>, vector<32x128xi32>,
    } else {
    }
    %eq3A_6 = arith.constant 15 : i32
    %eq3A_7 = arith.cmpi eq, %arg0, %eq3A_6 : i32
    %convert_element_type3A_8 = arith.extui %eq3A_7 : i1 to i32
    %cond3A_9 = arith.constant 0 : i32
    %cond3A_10 = arith.cmpi ne, %convert_element_type3A_8, %cond3A_9 : i32
    scf.if %cond3A_10 {
      %get3A = arith.constant 0 : index
      %get3A_11 = arith.constant 0 : index
      %get3A_12 = vector.load %arg2[%get3A, %get3A_11] : memref<32x65536xf32, #tpu.memory_space<vmem>>, vector<32x65536xf32>
      %reshape3A = vector.shape_cast %get3A_12 : vector<32x65536xf32> to vector<32x512x128xf32>
      %mul3A = arith.constant 65536 : i32
      %mul3A_13 = arith.muli %arg0, %mul3A : i32
      %iota3A = tpu.iota {dimensions = array<i32: 1>} : vector<32x512x128xi32>
      %mul3A_14 = arith.constant 128 : i32
      %mul3A_15 = vector.broadcast %mul3A_14 : i32 to vector<32x512x128xi32>
      %mul3A_16 = arith.muli %iota3A, %mul3A_15 : vector<32x512x128xi32>
      %add3A = vector.broadcast %mul3A_13 : i32 to vector<32x512x128xi32>
      %add3A_17 = arith.addi %add3A, %mul3A_16 : vector<32x512x128xi32>
      %iota3A_18 = tpu.iota {dimensions = array<i32: 2>} : vector<32x512x128xi32>
      %add3A_19 = arith.addi %add3A_17, %iota3A_18 : vector<32x512x128xi32>
      %lt3A_20 = arith.constant 1000000 : i32
      %lt3A_21 = vector.broadcast %lt3A_20 : i32 to vector<32x512x128xi32>
      %lt3A_22 = arith.cmpi slt, %add3A_19, %lt3A_21 : vector<32x512x128xi32>
      %jit3A = arith.constant -3.40282347E+38 : f32
      %broadcast_in_dim3A = vector.broadcast %jit3A : f32 to vector<32x512x128xf32>
      %select_n3A = arith.select %lt3A_22, %reshape3A, %broadcast_in_dim3A : vector<32x512x128xi1>, vector<32x512x128xf32>
      %reduce_max3A = arith.constant dense<0xFF800000> : vector<32x128xf32>
      %reduce_max3A_23 = vector.multi_reduction <maximumf>, %select_n3A, %reduce_max3A [1] : vector<32x512x128xf32> to vector<32x128xf32>
      %get3A_24 = arith.constant 0 : index
      %get3A_25 = arith.constant 0 : index
      %get3A_26 = vector.load %arg6[%get3A_24, %get3A_25] : memref<32x128xf32, #tpu.memory_space<vmem>>, vector<32x128xf32>
      %max3A = arith.maximumf %get3A_26, %reduce_max3A_23 : vector<32x128xf32>
      %broadcast_in_dim3A_27 = vector.shape_cast %max3A : vector<32x128xf32> to vector<32x1x128xf32>
      %sub3A = vector.broadcast %broadcast_in_dim3A_27 : vector<32x1x128xf32> to vector<32x512x128xf32>
      %sub3A_28 = arith.subf %select_n3A, %sub3A : vector<32x512x128xf32>
      %exp3A = math.exp %sub3A_28 : vector<32x512x128xf32>
      %reduce_sum3A = arith.constant dense<0.000000e+00> : vector<32x128xf32>
      %reduce_sum3A_29 = vector.multi_reduction <add>, %exp3A, %reduce_sum3A [1] : vector<32x512x128xf32> to vector<32x128xf32>
      %get3A_30 = arith.constant 0 : index
      %get3A_31 = arith.constant 0 : index
      %get3A_32 = vector.load %arg7[%get3A_30, %get3A_31] : memref<32x128xf32, #tpu.memory_space<vmem>>, vector<32x128xf32>
      %sub3A_33 = arith.subf %get3A_26, %max3A : vector<32x128xf32>
      %exp3A_34 = math.exp %sub3A_33 : vector<32x128xf32>
      %mul3A_35 = arith.mulf %get3A_32, %exp3A_34 : vector<32x128xf32>
      %add3A_36 = arith.addf %mul3A_35, %reduce_sum3A_29 : vector<32x128xf32>
      %swap3A = arith.constant 0 : index
      %swap3A_37 = arith.constant 0 : index
      %swap3A_38 = vector.load %arg7[%swap3A, %swap3A_37] : memref<32x128xf32, #tpu.memory_space<vmem>>, vector<32x128xf32>
      tpu.vector_store %arg7[%swap3A, %swap3A_37], %add3A_36 {strides = array<i32>} : memref<32x128xf32, #tpu.memory_space<vmem>>, vector<32x128xf32>,
      %swap3A_39 = arith.constant 0 : index
      %swap3A_40 = arith.constant 0 : index
      %swap3A_41 = vector.load %arg6[%swap3A_39, %swap3A_40] : memref<32x128xf32, #tpu.memory_space<vmem>>, vector<32x128xf32>
      tpu.vector_store %arg6[%swap3A_39, %swap3A_40], %max3A {strides = array<i32>} : memref<32x128xf32, #tpu.memory_space<vmem>>, vector<32x128xf32>,
      %get3A_42 = arith.constant 0 : index
      %get3A_43 = arith.constant 0 : index
      %get3A_44 = vector.load %arg1[%get3A_42, %get3A_43] : memref<32x1xi32, #tpu.memory_space<vmem>>, vector<32x1xi32>
      %broadcast_in_dim3A_45 = vector.shape_cast %get3A_44 : vector<32x1xi32> to vector<32x1x1xi32>
      %jit3A_46 = arith.constant 128 : i32
      %div3A = vector.broadcast %jit3A_46 : i32 to vector<32x1x1xi32>
      %div3A_47 = arith.divsi %broadcast_in_dim3A_45, %div3A : vector<32x1x1xi32>
      %sign3A = arith.constant 0 : i32
      %sign3A_48 = vector.broadcast %sign3A : i32 to vector<32x1x1xi32>
      %sign3A_49 = arith.cmpi sgt, %broadcast_in_dim3A_45, %sign3A_48 : vector<32x1x1xi32>
      %sign3A_50 = arith.extui %sign3A_49 : vector<32x1x1xi1> to vector<32x1x1xi32>
      %sign3A_51 = arith.constant 0 : i32
      %sign3A_52 = vector.broadcast %sign3A_51 : i32 to vector<32x1x1xi32>
      %sign3A_53 = arith.cmpi slt, %broadcast_in_dim3A_45, %sign3A_52 : vector<32x1x1xi32>
      %sign3A_54 = arith.extui %sign3A_53 : vector<32x1x1xi1> to vector<32x1x1xi32>
      %sign3A_55 = arith.subi %sign3A_50, %sign3A_54 : vector<32x1x1xi32>
      %sign3A_56 = arith.constant 0 : i32
      %sign3A_57 = arith.cmpi sgt, %jit3A_46, %sign3A_56 : i32
      %sign3A_58 = arith.extui %sign3A_57 : i1 to i32
      %sign3A_59 = arith.constant 0 : i32
      %sign3A_60 = arith.cmpi slt, %jit3A_46, %sign3A_59 : i32
      %sign3A_61 = arith.extui %sign3A_60 : i1 to i32
      %sign3A_62 = arith.subi %sign3A_58, %sign3A_61 : i32
      %ne3A = vector.broadcast %sign3A_62 : i32 to vector<32x1x1xi32>
      %ne3A_63 = arith.cmpi ne, %sign3A_55, %ne3A : vector<32x1x1xi32>
      %rem3A = vector.broadcast %jit3A_46 : i32 to vector<32x1x1xi32>
      %rem3A_64 = arith.remsi %broadcast_in_dim3A_45, %rem3A : vector<32x1x1xi32>
      %ne3A_65 = arith.constant 0 : i32
      %ne3A_66 = vector.broadcast %ne3A_65 : i32 to vector<32x1x1xi32>
      %ne3A_67 = arith.cmpi ne, %rem3A_64, %ne3A_66 : vector<32x1x1xi32>
      %and3A = arith.andi %ne3A_63, %ne3A_67 : vector<32x1x1xi1>
      %sub3A_68 = arith.constant 1 : i32
      %sub3A_69 = vector.broadcast %sub3A_68 : i32 to vector<32x1x1xi32>
      %sub3A_70 = arith.subi %div3A_47, %sub3A_69 : vector<32x1x1xi32>
      %select_n3A_71 = arith.select %and3A, %sub3A_70, %div3A_47 : vector<32x1x1xi1>, vector<32x1x1xi32>
      %mul3A_72 = arith.constant 512 : i32
      %mul3A_73 = arith.muli %arg0, %mul3A_72 : i32
      %sub3A_74 = vector.broadcast %mul3A_73 : i32 to vector<32x1x1xi32>
      %sub3A_75 = arith.subi %select_n3A_71, %sub3A_74 : vector<32x1x1xi32>
      %iota3A_76 = tpu.iota {dimensions = array<i32: 1>} : vector<32x512x1xi32>
      %eq3A_77 = vector.broadcast %sub3A_75 : vector<32x1x1xi32> to vector<32x512x1xi32>
      %eq3A_78 = arith.cmpi eq, %iota3A_76, %eq3A_77 : vector<32x512x1xi32>
      %get3A_79 = arith.constant 0 : index
      %get3A_80 = arith.constant 0 : index
      %get3A_81 = vector.load %arg9[%get3A_79, %get3A_80] : memref<32x128xf32, #tpu.memory_space<vmem>>, vector<32x128xf32>
      %jit3A_82 = arith.constant 0.000000e+00 : f32
      %broadcast_in_dim3A_83 = vector.shape_cast %eq3A_78 : vector<32x512x1xi1> to vector<32x512x1xi1>
      %broadcast_in_dim3A_84 = vector.broadcast %broadcast_in_dim3A_83 : vector<32x512x1xi1> to vector<32x512x128xi1>
      %broadcast_in_dim3A_85 = vector.broadcast %jit3A_82 : f32 to vector<32x512x128xf32>
      %select_n3A_86 = arith.select %broadcast_in_dim3A_84, %select_n3A, %broadcast_in_dim3A_85 : vector<32x512x128xi1>, vector<32x512x128xf32>
      %reduce_sum3A_87 = arith.constant dense<0.000000e+00> : vector<32x128xf32>
      %reduce_sum3A_88 = vector.multi_reduction <add>, %select_n3A_86, %reduce_sum3A_87 [1] : vector<32x512x128xf32> to vector<32x128xf32>
      %add3A_89 = arith.addf %get3A_81, %reduce_sum3A_88 : vector<32x128xf32>
      %swap3A_90 = arith.constant 0 : index
      %swap3A_91 = arith.constant 0 : index
      %swap3A_92 = vector.load %arg9[%swap3A_90, %swap3A_91] : memref<32x128xf32, #tpu.memory_space<vmem>>, vector<32x128xf32>
      tpu.vector_store %arg9[%swap3A_90, %swap3A_91], %add3A_89 {strides = array<i32>} : memref<32x128xf32, #tpu.memory_space<vmem>>, vector<32x128xf32>,
      %iota3A_93 = tpu.iota {dimensions = array<i32: 1>} : vector<32x512x1xi32>
      %broadcast_in_dim3A_94 = vector.shape_cast %reduce_max3A_23 : vector<32x128xf32> to vector<32x1x128xf32>
      %eq3A_95 = vector.broadcast %broadcast_in_dim3A_94 : vector<32x1x128xf32> to vector<32x512x128xf32>
      %eq3A_96 = arith.cmpf oeq, %select_n3A, %eq3A_95 : vector<32x512x128xf32>
      %jit3A_97 = arith.constant 2147483647 : i32
      %broadcast_in_dim3A_98 = vector.shape_cast %iota3A_93 : vector<32x512x1xi32> to vector<32x512x1xi32>
      %broadcast_in_dim3A_99 = vector.broadcast %broadcast_in_dim3A_98 : vector<32x512x1xi32> to vector<32x512x128xi32>
      %broadcast_in_dim3A_100 = vector.broadcast %jit3A_97 : i32 to vector<32x512x128xi32>
      %select_n3A_101 = arith.select %eq3A_96, %broadcast_in_dim3A_99, %broadcast_in_dim3A_100 : vector<32x512x128xi1>, vector<32x512x128xi32>
      %reduce_min3A = arith.constant dense<2147483647> : vector<32x128xi32>
      %reduce_min3A_102 = vector.multi_reduction <minsi>, %select_n3A_101, %reduce_min3A [1] : vector<32x512x128xi32> to vector<32x128xi32>
      %iota3A_103 = tpu.iota {dimensions = array<i32: 1>} : vector<32x128xi32>
      %mul3A_104 = arith.constant 65536 : i32
      %mul3A_105 = arith.muli %arg0, %mul3A_104 : i32
      %mul3A_106 = arith.constant 128 : i32
      %mul3A_107 = vector.broadcast %mul3A_106 : i32 to vector<32x128xi32>
      %mul3A_108 = arith.muli %reduce_min3A_102, %mul3A_107 : vector<32x128xi32>
      %add3A_109 = vector.broadcast %mul3A_105 : i32 to vector<32x128xi32>
      %add3A_110 = arith.addi %add3A_109, %mul3A_108 : vector<32x128xi32>
      %add3A_111 = arith.addi %add3A_110, %iota3A_103 : vector<32x128xi32>
      %gt3A = arith.cmpf ogt, %reduce_max3A_23, %get3A_26 : vector<32x128xf32>
      %get3A_112 = arith.constant 0 : index
      %get3A_113 = arith.constant 0 : index
      %get3A_114 = vector.load %arg8[%get3A_112, %get3A_113] : memref<32x128xi32, #tpu.memory_space<vmem>>, vector<32x128xi32>
      %select_n3A_115 = arith.select %gt3A, %add3A_111, %get3A_114 : vector<32x128xi1>, vector<32x128xi32>
      %swap3A_116 = arith.constant 0 : index
      %swap3A_117 = arith.constant 0 : index
      %swap3A_118 = vector.load %arg8[%swap3A_116, %swap3A_117] : memref<32x128xi32, #tpu.memory_space<vmem>>, vector<32x128xi32>
      tpu.vector_store %arg8[%swap3A_116, %swap3A_117], %select_n3A_115 {strides = array<i32>} : memref<32x128xi32, #tpu.memory_space<vmem>>, vector<32x128xi32>,
      %get3A_119 = arith.constant 0 : index
      %get3A_120 = arith.constant 0 : index
      %get3A_121 = vector.load %arg6[%get3A_119, %get3A_120] : memref<32x128xf32, #tpu.memory_space<vmem>>, vector<32x128xf32>
      %reduce_max3A_122 = arith.constant dense<0xFF800000> : vector<32xf32>
      %reduce_max3A_123 = vector.multi_reduction <maximumf>, %get3A_121, %reduce_max3A_122 [1] : vector<32x128xf32> to vector<32xf32>
      %broadcast_in_dim3A_124 = vector.shape_cast %reduce_max3A_123 : vector<32xf32> to vector<32x1xf32>
      %get3A_125 = arith.constant 0 : index
      %get3A_126 = arith.constant 0 : index
      %get3A_127 = vector.load %arg7[%get3A_125, %get3A_126] : memref<32x128xf32, #tpu.memory_space<vmem>>, vector<32x128xf32>
      %sub3A_128 = vector.broadcast %broadcast_in_dim3A_124 : vector<32x1xf32> to vector<32x128xf32>
      %sub3A_129 = arith.subf %get3A_121, %sub3A_128 : vector<32x128xf32>
      %exp3A_130 = math.exp %sub3A_129 : vector<32x128xf32>
      %mul3A_131 = arith.mulf %get3A_127, %exp3A_130 : vector<32x128xf32>
      %reduce_sum3A_132 = arith.constant dense<0.000000e+00> : vector<32xf32>
      %reduce_sum3A_133 = vector.multi_reduction <add>, %mul3A_131, %reduce_sum3A_132 [1] : vector<32x128xf32> to vector<32xf32>
      %broadcast_in_dim3A_134 = vector.shape_cast %reduce_sum3A_133 : vector<32xf32> to vector<32x1xf32>
      %log3A = math.log %broadcast_in_dim3A_134 : vector<32x1xf32>
      %add3A_135 = arith.addf %broadcast_in_dim3A_124, %log3A : vector<32x1xf32>
      %swap3A_136 = arith.constant 0 : index
      %swap3A_137 = arith.constant 0 : index
      %swap3A_138 = vector.load %arg3[%swap3A_136, %swap3A_137] : memref<32x1xf32, #tpu.memory_space<vmem>>, vector<32x1xf32>
      tpu.vector_store %arg3[%swap3A_136, %swap3A_137], %add3A_135 {strides = array<i32>} : memref<32x1xf32, #tpu.memory_space<vmem>>, vector<32x1xf32>,
      %eq3A_139 = vector.broadcast %broadcast_in_dim3A_124 : vector<32x1xf32> to vector<32x128xf32>
      %eq3A_140 = arith.cmpf oeq, %get3A_121, %eq3A_139 : vector<32x128xf32>
      %get3A_141 = arith.constant 0 : index
      %get3A_142 = arith.constant 0 : index
      %get3A_143 = vector.load %arg8[%get3A_141, %get3A_142] : memref<32x128xi32, #tpu.memory_space<vmem>>, vector<32x128xi32>
      %jit3A_144 = arith.constant 2147483647 : i32
      %broadcast_in_dim3A_145 = vector.broadcast %jit3A_144 : i32 to vector<32x128xi32>
      %select_n3A_146 = arith.select %eq3A_140, %get3A_143, %broadcast_in_dim3A_145 : vector<32x128xi1>, vector<32x128xi32>
      %reduce_min3A_147 = arith.constant dense<2147483647> : vector<32xi32>
      %reduce_min3A_148 = vector.multi_reduction <minsi>, %select_n3A_146, %reduce_min3A_147 [1] : vector<32x128xi32> to vector<32xi32>
      %broadcast_in_dim3A_149 = vector.shape_cast %reduce_min3A_148 : vector<32xi32> to vector<32x1xi32>
      %swap3A_150 = arith.constant 0 : index
      %swap3A_151 = arith.constant 0 : index
      %swap3A_152 = vector.load %arg4[%swap3A_150, %swap3A_151] : memref<32x1xi32, #tpu.memory_space<vmem>>, vector<32x1xi32>
      tpu.vector_store %arg4[%swap3A_150, %swap3A_151], %broadcast_in_dim3A_149 {strides = array<i32>} : memref<32x1xi32, #tpu.memory_space<vmem>>, vector<32x1xi32>,
      %get3A_153 = arith.constant 0 : index
      %get3A_154 = arith.constant 0 : index
      %get3A_155 = vector.load %arg9[%get3A_153, %get3A_154] : memref<32x128xf32, #tpu.memory_space<vmem>>, vector<32x128xf32>
      %swap3A_156 = arith.constant 0 : index
      %swap3A_157 = arith.constant 0 : index
      %swap3A_158 = vector.load %arg5[%swap3A_156, %swap3A_157] : memref<32x128xf32, #tpu.memory_space<vmem>>, vector<32x128xf32>
      tpu.vector_store %arg5[%swap3A_156, %swap3A_157], %get3A_155 {strides = array<i32>} : memref<32x128xf32, #tpu.memory_space<vmem>>, vector<32x128xf32>,
    } else {
    }
    return
  }
  func.func @transform_0(%arg0: i32) -> (i32, i32) {
    %c0_i32 = arith.constant 0 : i32
    %c0_i32_0 = arith.constant 0 : i32
    %c0_i32_1 = arith.constant 0 : i32
    return %c0_i32, %c0_i32_0 : i32, i32
  }
  func.func @transform_1(%arg0: i32) -> (i32, i32) {
    %c0_i32 = arith.constant 0 : i32
    %c0_i32_0 = arith.constant 0 : i32
    return %c0_i32, %arg0 : i32, i32
  }
  func.func @transform_2(%arg0: i32) -> (i32, i32) {
    %c0_i32 = arith.constant 0 : i32
    %c0_i32_0 = arith.constant 0 : i32
    %c0_i32_1 = arith.constant 0 : i32
    return %c0_i32, %c0_i32_0 : i32, i32
  }
  func.func @transform_3(%arg0: i32) -> (i32, i32) {
    %c0_i32 = arith.constant 0 : i32
    %c0_i32_0 = arith.constant 0 : i32
    %c0_i32_1 = arith.constant 0 : i32
    return %c0_i32, %c0_i32_0 : i32, i32
  }
  func.func @transform_4(%arg0: i32) -> (i32, i32) {
    %c0_i32 = arith.constant 0 : i32
    %c0_i32_0 = arith.constant 0 : i32
    %c0_i32_1 = arith.constant 0 : i32
    return %c0_i32, %c0_i32_0 : i32, i32
  }
}

</mosaic_0001>

<sc_bundles>
// kernel: kernel.4.cloned.1.call-start
scs
__scs_entry_jumppad:
0x0: {  	(pc) =	sbr.rel $0x88, $3  }
0x1: {  	(tag) =	ssettag $0x0;
	lr =	simm.s32 $0x1  }
0x2: {  	[smem:$0x3F9F] =	sst lr;
	_ =	strace $0xD0000000  }
0x3: {  	_ = 	snop  }
0x4: {  	_ = 	snop  }
0x5: {  	_ = 	snop  }
0x6: {  	_ = 	snop  }
0x7: {  	_ = 	snop  }
__scs_overlays_trampoline_lowered:
0x8: {  	[smem:$0x3FAE] =	sst s0  }
0x9: {  	[smem:$0x3FAF] =	sst s1  }
0xa: {  	[smem:$0x3FB0] =	sst s2  }
0xb: {  	[smem:$0x3FB1] =	sst s3  }
0xc: {  	[smem:$0x3FB2] =	sst s4  }
0xd: {  	[smem:$0x3FB3] =	sst s5  }
0xe: {  	[smem:$0x3FB4] =	sst s6  }
0xf: {  	[smem:$0x3FB5] =	sst s7  }
0x10: {  	[smem:$0x3FB6] =	sst s8  }
0x11: {  	[smem:$0x3FB7] =	sst s9;
	s0 =	simm.s32 @!p0 $0x0  }
0x12: {  	s1 =	sld [smem:$0x3F9D];
	s0 =	simm.s32 @p0 $0x1  }
0x13: {  	[smem:$0x3FB8] =	sst s0;
	s0 =	simm.s32 @!p1 $0x0  }
0x14: {  	s2 =	sld [smem:$0x3F9C];
	s0 =	simm.s32 @p1 $0x1  }
0x15: {  	[smem:$0x3FB9] =	sst s0;
	s0 =	simm.s32 @!p2 $0x0  }
0x16: {  	s3 =	sld [smem:$0x3FDB];
	s0 =	simm.s32 @p2 $0x1  }
0x17: {  	s4 =	simm.s32 $0x1BF5;
	[smem:$0x3FBB] =	sst s0  }
0x18: {  	s0 =	sld [smem:$0x3F9E];
	_ =	swait.ge [sflag:s4], $0x0  }
0x19: {  	s7 =	sld [smem:$0x3F9F]  }
0x1a: {  	s8 =	sadd.s32 $0xFFFFE003, lr  }
0x1b: {  	s9 =	sadd.s32 $0xFFFFFEF7, lr;
	s5 =	simm.s32 $0xFFFFFFFF;
	p2 =	slt.u32 s8, $0xFFFFF086  }
0x1c: {  	p1 =	slt.u32 s9, $0xF7A;
	s5 =	simm.s32 @!p2 $0x0  }
0x1d: {  	s5 =	simm.s32 @p1 $0x1;
	p0 =	seq.s32 s7, s2  }
0x1e: {  	s7 =	smul.u32 @!p0 $0xF7A, s2;
	p2 =	seq.s32 @!p0 s5, $0x0  }
0x1f: {  	s9 =	smul.u32 $0xF7A, s1;
	s8 =	simm.s32 @!p0 $0x1BF5;
	p2 =	por !p2, p0  }
0x20: {  	[sflag:s8] =	ssyncset.s32 @!p0 $0xFFFFF086;
	s6 =	sadd.s32 @!p0 s3, s7;
	s7 =	simm.s32 @!p0 $0x108  }
0x21: {  	s3 =	sadd.s32 s3, s9;
	s6 =	sadd.s32 @!p0 $0x88, s6;
	s7 =	simm.s32 @p2 $0x1082  }
0x22: {  	[simem:s7], [sflag:s8] =	dma.local @!p0 [hbm:s6], $0xF7A  }
0x23: {  	s9 =	sor.u32 $0xD0000000, s2;
	s6 =	simm.s32 $0x108;
	_ =	swait.ge @!p0 [sflag:s8], $0x0  }
0x24: {  	s3 =	sadd.s32 $0x88, s3;
	s6 =	simm.s32 @!p1 $0x1082;
	[sflag:s4] =	ssyncset.s32 $0xFFFFF086  }
0x25: {  	[simem:s6], [sflag:s4] =	dma.local [hbm:s3], $0xF7A  }
0x26: {  	[smem:$0x3F9F] =	sst s1;
	(tag) =	ssettag s2;
	_ =	strace s9  }
0x27: {  	s1 =	sld [smem:$0x3FAF]  }
0x28: {  	s2 =	sld [smem:$0x3FB0]  }
0x29: {  	s4 =	sld [smem:$0x3FB2]  }
0x2a: {  	p0 =	seq.s32 s5, $0x0;
	s5 =	sld [smem:$0x3FB3]  }
0x2b: {  	s6 =	sld [smem:$0x3FB4]  }
0x2c: {  	s7 =	sld [smem:$0x3FB5]  }
0x2d: {  	s3 =	simm.s32 $0x108;
	s8 =	sld [smem:$0x3FB6]  }
0x2e: {  	s3 =	simm.s32 @!p0 $0x1082;
	s9 =	sld [smem:$0x3FB7]  }
0x2f: {  	lr =	sadd.s32 s0, s3;
	s0 =	sld [smem:$0x3FAE]  }
0x30: {  	s3 =	sld [smem:$0x3FB1]  }
0x31: {  	[smem:$0x3FBA] =	sst s10  }
0x32: {  	s10 =	sld [smem:$0x3FB8];
	_ =	sdelay $0x3  }
0x33: {  	p0 =	seq.s32 s10, $0x1;
	s10 =	sld [smem:$0x3FBA];
	_ =	sdelay $0x3  }
0x34: {  	[smem:$0x3FBA] =	sst s10  }
0x35: {  	s10 =	sld [smem:$0x3FB9];
	_ =	sdelay $0x3  }
0x36: {  	p1 =	seq.s32 s10, $0x1;
	s10 =	sld [smem:$0x3FBA];
	_ =	sdelay $0x3  }
0x37: {  	[smem:$0x3FBA] =	sst s10  }
0x38: {  	s10 =	sld [smem:$0x3FBB]  }
0x39: {  	_ = 	snop;
	(pc) =	sbr.ind lr, $3  }
0x3a: {  	_ = 	snop  }
0x3b: {  	_ = 	snop  }
0x3c: {  	p2 =	seq.s32 s10, $0x1;
	s10 =	sld [smem:$0x3FBA]  }
0x3d: {  	_ =	shalt  }
0x3e: {  	_ =	shalt  }
0x3f: {  	_ =	shalt  }
0x40: {  	_ =	shalt  }
0x41: {  	_ =	shalt  }
0x42: {  	_ =	shalt  }
0x43: {  	_ =	shalt  }
0x44: {  	_ =	shalt  }
0x45: {  	_ =	shalt  }
0x46: {  	_ =	shalt  }
0x47: {  	_ =	shalt  }
0x48: {  	_ =	shalt  }
0x49: {  	_ =	shalt  }
0x4a: {  	_ =	shalt  }
0x4b: {  	_ =	shalt  }
0x4c: {  	_ =	shalt  }
0x4d: {  	_ =	shalt  }
0x4e: {  	_ =	shalt  }
0x4f: {  	_ =	shalt  }
0x50: {  	_ =	shalt  }
0x51: {  	_ =	shalt  }
0x52: {  	_ =	shalt  }
0x53: {  	_ =	shalt  }
0x54: {  	_ =	shalt  }
0x55: {  	_ =	shalt  }
0x56: {  	_ =	shalt  }
0x57: {  	_ =	shalt  }
0x58: {  	_ =	shalt  }
0x59: {  	_ =	shalt  }
0x5a: {  	_ =	shalt  }
0x5b: {  	_ =	shalt  }
0x5c: {  	_ =	shalt  }
0x5d: {  	_ =	shalt  }
0x5e: {  	_ =	shalt  }
0x5f: {  	_ =	shalt  }
0x60: {  	_ =	shalt  }
0x61: {  	_ =	shalt  }
0x62: {  	_ =	shalt  }
0x63: {  	_ =	shalt  }
0x64: {  	_ =	shalt  }
0x65: {  	_ =	shalt  }
0x66: {  	_ =	shalt  }
0x67: {  	_ =	shalt  }
0x68: {  	_ =	shalt  }
0x69: {  	_ =	shalt  }
0x6a: {  	_ =	shalt  }
0x6b: {  	_ =	shalt  }
0x6c: {  	_ =	shalt  }
0x6d: {  	_ =	shalt  }
0x6e: {  	_ =	shalt  }
0x6f: {  	_ =	shalt  }
0x70: {  	_ =	shalt  }
0x71: {  	_ =	shalt  }
0x72: {  	_ =	shalt  }
0x73: {  	_ =	shalt  }
0x74: {  	_ =	shalt  }
0x75: {  	_ =	shalt  }
0x76: {  	_ =	shalt  }
0x77: {  	_ =	shalt  }
0x78: {  	_ =	shalt  }
0x79: {  	_ =	shalt  }
0x7a: {  	_ =	shalt  }
0x7b: {  	_ =	shalt  }
0x7c: {  	_ =	shalt  }
0x7d: {  	_ =	shalt  }
0x7e: {  	_ =	shalt  }
0x7f: {  	_ =	shalt  }
0x80: {  	_ =	shalt  }
0x81: {  	_ =	shalt  }
0x82: {  	_ =	shalt  }
0x83: {  	_ =	shalt  }
0x84: {  	_ =	shalt  }
0x85: {  	_ =	shalt  }
0x86: {  	_ =	shalt  }
0x87: {  	_ =	shalt  }
.Lfunc_end0:
.L_simem_size_0:
called_computation_lowered:
.L_overlay_start_0:
0x88: {  	s2 =	sld [smem:$0x3FD9]  }
0x89: {  	s3 =	sld [smem:$0x3FFE];
	_ =	sdelay $0x1  }
0x8a: {  	s1 =	srdreg.scid  }
0x8b: {  	s0 =	sand.u32 $0x1, s1  }
0x8c: {  	s14 =	sshll.u32 s0, $0xA;
	s2 =	sadd.s32 s3, s2  }
0x8d: {  	s2 =	sadd.s32 s2, s14  }
0x8e: {  	[smem:$0x3FC6] =	sst s2  }
0x8f: {  	_ = 	snop  }
0x90: {  	s2 =	sld [smem:$0x3FD0];
	_ =	sdelay $0x2  }
0x91: {  	s4 =	simm.s32 $0xA;
	s5 =	simm.s32 $0x10;
	s15 =	sld [smem:$0x3FC8]  }
0x92: {  	[smem:s5], [sflag:s4] =	dma.local [hbm:s2], $0x1  }
0x93: {  	_ =	swait.eq [sflag:s4], $0x1  }
0x94: {  	[sflag:s4] =	ssyncset.done $0x0  }
0x95: {  	[sflag:s4] =	ssyncadd.s32 $0xFFFFFFFF  }
0x96: {  	s16 =	sld [smem:$0x10];
	(tm) =	ssettm $0x1  }
0x97: {  	s17 =	sld [smem:$0x3FFB];
	_ =	sdelay $0x3  }
0x98: {  	_ =	strace s17  }
0x99: {  	s4 =	sld [smem:$0x3FFC];
	_ =	sdelay $0x3  }
0x9a: {  	_ =	strace s4  }
0x9b: {  	s4 =	sld [smem:$0x3FFD];
	_ =	sdelay $0x3  }
0x9c: {  	_ =	strace s4  }
0x9d: {  	_ =	strace $0x8FFFFFFF  }
0x9e: {  	s18 =	sld [smem:$0x3FDB];
	_ =	sdelay $0x1  }
0x9f: {  	s19 =	simm.s32 $_scs_section_size  }
0xa0: {  	s6 =	simm.s32 $_size__tile_overlayer_lowered;
	s7 =	simm.s32 $_tile_overlayer_lowered  }
0xa1: {  	s22 =	simm.s32 $0x1BFF;
	s21 =	sshll.u32 s7, $0x1;
	s4 =	sadd.s32 s19, s18  }
0xa2: {  	s8 =	simm.s32 $0x0;
	s20 =	sshll.u32 s6, $0x1;
	s6 =	sadd.s32 s21, s4  }
0xa3: {  	[timem:s8], [sflag:s22] =	dma.local [hbm:s6], s20  }
0xa4: {  	_ =	swait.ge [sflag:s22], s20  }
0xa5: {  	s5 =	ssub.s32 $0x0, s20;
	[sflag:s22] =	ssyncset.done $0x0  }
0xa6: {  	[sflag:s22] =	ssyncadd.s32 s5;
	_ =	sdelay $0x1  }
0xa7: {  	s23 =	simm.s32 $0x1B8B  }
0xa8: {  	_ =	swait.ge [sflag:s23], $0x1  }
0xa9: {  	[sflag:s23] =	ssyncset.done $0x0  }
0xaa: {  	s25 =	simm.s32 $0x1B8E;
	s24 =	sld [smem:$0x3FFE];
	[sflag:s23] =	ssyncadd.s32 $0xFFFFFFFF  }
0xab: {  	s26 =	simm.s32 $execute0_lowered;
	[smem:$0x3FD2] =	sst s25  }
0xac: {  	s6 =	sshll.u32 s26, $0x1;
	_ =	strace $0x80000046;
	[dreg:$0x1] =	wrdreg $0xFFFFFFFF  }
0xad: {  	s28 =	simm.s32 $_size_execute0_lowered;
	s4 =	sadd.s32 s4, s6;
	[dreg:$0x0] =	wrdreg $0x0  }
0xae: {  	s6 =	sshll.u32 s28, $0x1;
	[dreg:$0x2] =	wrdreg s4  }
0xaf: {  	[dreg:$0x3] =	wrdreg s6  }
0xb0: {  	[dreg:$0x4] =	wrdreg $0xC0  }
0xb1: {  	_ =	task [dreg:s8], $0x5FFFF  }
0xb2: {  	[dreg:$0x1] =	wrdreg $0xFFFFFFFF  }
0xb3: {  	[dreg:$0x0] =	wrdreg $0x60  }
0xb4: {  	[dreg:$0x2] =	wrdreg s24  }
0xb5: {  	[dreg:$0x3] =	wrdreg s15  }
0xb6: {  	[dreg:$0x4] =	wrdreg s16  }
0xb7: {  	[dreg:$0x5] =	wrdreg $0x9  }
0xb8: {  	_ =	task.clear_ibuf [dreg:s8], $0x6FFFF;
	_ =	strace $0x90000046  }
0xb9: {  	s29 =	simm.s32 $0x9;
	_ =	strace $0x80000048  }
0xba: {  	_ =	swait.ge [sflag:s29], $0x1  }
0xbb: {  	[sflag:s29] =	ssyncadd.s32 $0xFFFFFFFF  }
0xbc: {  	_ =	strace $0x90000048  }
0xbd: {  	_ =	sfence  }
0xbe: {  	s30 =	sld [smem:$0x0];
	_ =	sdelay $0x2  }
0xbf: {  	s31 =	sshll.u32 s1, $0xD;
	s1 =	sshrl.u32 s1, $0x2  }
0xc0: {  	s3 =	sand.u32 $0x4000, s31;
	s1 =	sadd.s32 s1, s30  }
0xc1: {  	s0 =	sor.u32 s3, s0;
	s1 =	sshll.u32 s1, $0x11  }
0xc2: {  	s0 =	sor.u32 s1, s0  }
0xc3: {  	s0 =	sadd.s32 $0x8F2B, s0  }
0xc4: {  	[sflag:s0] =	ssyncadd.remote.s32 $0x1  }
0xc5: {  	_ =	sfence.sel $0xFFFF  }
0xc6: {  	[dreg:$0x0] =	wrdreg $0xFFFFFFFF;
	(pc) =	sbr.abs _section_cstart, $3  }
0xc7: {  	[dreg:$0x1] =	wrdreg $0xFFFFFFFF  }
0xc8: {  	_ =	task.clear_ibuf [dreg:s8], $0x2FFFF;
	_ =	strace $0x9FFFFFFF  }
0xc9: {  	(tm) =	ssettm $0x7FFFFFFF  }
tec
execute0_lowered:
.L_overlay_start_1:
0x0: {  	(tag) =	ssettag $0x1  }
0x1: {  	s0 =	srdreg.scid  }
0x2: {  	s13 =	sand.u32 $0x1, s0;
	s0 =	stileid.u32  }
0x3: {  	s4 =	sshll.u32 s13, $0x4;
	s5 =	ssub.s32 $0x0, s0  }
0x4: {  	p0 =	sne.s32 s4, s5  }
.Ltmp0:
0x5: {  	_ = 	snop;
	(pc) =	sbr.rel @p0 .LBB2_4-.Ltmp0, $4  }
0x6: {  	s8 =	rddreg [dreg:$0x0]  }
0x7: {  	s2 =	rddreg [dreg:$0x1]  }
0x8: {  	s3 =	rddreg [dreg:$0x2]  }
0x9: {  	s1 =	rddreg [dreg:$0x3];
	_ =	strace $0x80000047  }
0xa: {  	s5 =	simm.s32 $0x0;
	s4 =	simm.s32 $0x2  }
0xb: {  	[tilespmem:s5], [sflag:$0x2] =	stream.linear.gather [hbm4b:s2+s5], $0x80, $0x38;
	[tilespmem:$0x280] =	vst v63  }
0xc: {  	_ =	swait.ge [sflag:s4], $0x80  }
0xd: {  	[sflag:s4] =	ssyncset.done $0x0  }
0xe: {  	s6 =	sadd.s32 $0x600, s8;
	s7 =	simm.s32 $0x180;
	[sflag:s4] =	ssyncadd.s32 $0xFFFFFF80  }
0xf: {  	[tilespmem:s7], [sflag:$0x2] =	stream.linear.gather [hbm4b:s6+s5], $0x80, $0x38;
	[tilespmem:$0x280] =	vst v63  }
0x10: {  	_ =	swait.ge [sflag:s4], $0x80  }
0x11: {  	[sflag:s4] =	ssyncset.done $0x0  }
0x12: {  	[sflag:s4] =	ssyncadd.s32 $0xFFFFFF80  }
0x13: {  	v1 =	vld [tilespmem:$0x0]  }
0x14: {  	v2 =	vld [tilespmem:$0x10];
	_ =	sdelay $0x3  }
0x15: {  	v0 =	vshra.s32 v1, $0x1F  }
0x16: {  	v3 =	vshra.s32 v2, $0x1F;
	v0 =	vshrl.u32 v0, $0x19  }
0x17: {  	v3 =	vshrl.u32 v3, $0x19;
	v0 =	vadd.s32 v0, v1  }
0x18: {  	v4 =	vlaneseq.u32;
	v3 =	vadd.s32 v3, v2;
	v5 =	vshrl.u32 v0, $0x7  }
0x19: {  	v0 =	vmul.u32 $0x80, v4;
	v3 =	vshrl.u32 v3, $0x7;
	v61 =	vshll.u32 v5, $0x7  }
0x1a: {  	v3 =	vshll.u32 v3, $0x7;
	v4 =	vsub.s32 v1, v61  }
0x1b: {  	v1 =	vor.u32 $0x800, v0;
	v2 =	vsub.s32 v2, v3;
	v4 =	vadd.s32 v0, v4  }
0x1c: {  	s8 =	sadd.s32 $0x400, s8;
	s9 =	simm.s32 $0x20;
	v2 =	vadd.s32 v1, v2;
	[tilespmem:$0x80] =	vst v4  }
0x1d: {  	s10 =	simm.s32 $0x80;
	s11 =	simm.s32 $0x100;
	s12 =	simm.s32 $0x1;
	[tilespmem:$0x90] =	vst v2  }
0x1e: {  	[tilespmem:s11], [sflag:$0x1] =	stream.indirect.gather [hbm4b:s8+s9], $0x1, s10, s9, $0xb8;
	[tilespmem:$0x280] =	vst v63  }
0x1f: {  	_ =	swait.ge [sflag:s12], $0x20  }
0x20: {  	[sflag:s12] =	ssyncset.done $0x0  }
0x21: {  	[sflag:s12] =	ssyncadd.s32 $0xFFFFFFE0  }
0x22: {  	s13 =	ssub.s32 $0x2, s13;
	v2 =	vld [tilespmem:$0x190]  }
0x23: {  	s14 =	sshrl.u32 s13, $0x1;
	v3 =	vld [tilespmem:$0x110]  }
0x24: {  	s13 =	ssub.s32 s13, s14;
	v62 =	vld [tilespmem:$0x100]  }
0x25: {  	s14 =	smax.u32 s13, $0x1;
	v63 =	vld [tilespmem:$0x180]  }
0x26: {  	p0 =	sne.s32 s14, $0x1  }
.Ltmp1:
0x27: {  	_ = 	snop;
	(pc) =	sbr.rel @!p0 .LBB2_3-.Ltmp1, $4  }
0x28: {  	_ = 	snop  }
0x29: {  	v3 =	vsub.f32 v3, v2  }
0x2a: {  	v2 =	vsub.f32 v62, v63  }
0x2b: {  	s13 =	simm.s32 $0x200;
	s14 =	sadd.s32 $0xFFFFFFFF, s14;
	[tilespmem:$0x210] =	vst v3  }
.LBB2_2:
0x2c: {  	p0 =	sne.s32 s14, $0x1;
	s14 =	sadd.s32 $0xFFFFFFFF, s14;
	[tilespmem:$0x200] =	vst v2  }
0x2d: {  	[hbm4b:s3+s5] =	stream.linear.scatter [tilespmem:s13], [sflag:$0x2], $0x80, $0x38;
	[tilespmem:$0x280] =	vst v63  }
0x2e: {  	_ =	swait.ge [sflag:s4], $0x80  }
0x2f: {  	[sflag:s4] =	ssyncset.done $0x0  }
0x30: {  	[sflag:s4] =	ssyncadd.s32 $0xFFFFFF80  }
0x31: {  	[tilespmem:s5], [sflag:$0x2] =	stream.linear.gather [hbm4b:s2+s5], $0x80, $0x38;
	[tilespmem:$0x280] =	vst v63  }
0x32: {  	_ =	swait.ge [sflag:s4], $0x80  }
0x33: {  	[sflag:s4] =	ssyncset.done $0x0  }
0x34: {  	[sflag:s4] =	ssyncadd.s32 $0xFFFFFF80  }
0x35: {  	[tilespmem:s7], [sflag:$0x2] =	stream.linear.gather [hbm4b:s6+s5], $0x80, $0x38;
	[tilespmem:$0x280] =	vst v63  }
0x36: {  	_ =	swait.ge [sflag:s4], $0x80  }
0x37: {  	[sflag:s4] =	ssyncset.done $0x0  }
0x38: {  	[sflag:s4] =	ssyncadd.s32 $0xFFFFFF80  }
0x39: {  	v2 =	vld [tilespmem:$0x0]  }
0x3a: {  	v3 =	vld [tilespmem:$0x10];
	_ =	sdelay $0x3  }
0x3b: {  	v4 =	vshra.s32 v2, $0x1F  }
0x3c: {  	v4 =	vshrl.u32 v4, $0x19;
	v5 =	vshra.s32 v3, $0x1F  }
0x3d: {  	v4 =	vadd.s32 v4, v2;
	v5 =	vshrl.u32 v5, $0x19  }
0x3e: {  	v4 =	vshrl.u32 v4, $0x7;
	v5 =	vadd.s32 v5, v3  }
0x3f: {  	v4 =	vshll.u32 v4, $0x7;
	v5 =	vshrl.u32 v5, $0x7  }
0x40: {  	v2 =	vsub.s32 v2, v4;
	v4 =	vshll.u32 v5, $0x7  }
0x41: {  	v2 =	vadd.s32 v0, v2;
	v3 =	vsub.s32 v3, v4  }
0x42: {  	[tilespmem:$0x80] =	vst v2;
	v2 =	vadd.s32 v1, v3  }
0x43: {  	[tilespmem:$0x90] =	vst v2  }
0x44: {  	[tilespmem:s11], [sflag:$0x1] =	stream.indirect.gather [hbm4b:s8+s9], $0x1, s10, s9, $0xb8;
	[tilespmem:$0x280] =	vst v63  }
0x45: {  	_ =	swait.ge [sflag:s12], $0x20  }
0x46: {  	[sflag:s12] =	ssyncset.done $0x0  }
0x47: {  	[sflag:s12] =	ssyncadd.s32 $0xFFFFFFE0  }
0x48: {  	v2 =	vld [tilespmem:$0x190]  }
0x49: {  	v3 =	vld [tilespmem:$0x100]  }
0x4a: {  	v4 =	vld [tilespmem:$0x110]  }
0x4b: {  	v5 =	vld [tilespmem:$0x180];
	_ =	sdelay $0x1  }
.Ltmp2:
0x4c: {  	(pc) =	sbr.rel @p0 .LBB2_2-.Ltmp2, $4  }
0x4d: {  	_ = 	snop  }
0x4e: {  	v4 =	vsub.f32 v4, v2  }
0x4f: {  	v2 =	vsub.f32 v3, v5  }
0x50: {  	[tilespmem:$0x210] =	vst v4  }
.LBB2_3:
0x51: {  	[tilespmem:$0x200] =	vst v2  }
0x52: {  	[hbm4b:s3+s5] =	stream.linear.scatter [tilespmem:s13], [sflag:$0x2], $0x80, $0x38;
	[tilespmem:$0x280] =	vst v63  }
0x53: {  	_ =	swait.ge [sflag:s4], $0x80  }
0x54: {  	[sflag:s4] =	ssyncset.done $0x0  }
0x55: {  	[sflag:s4] =	ssyncadd.s32 $0xFFFFFF80  }
.LBB2_4:
0x56: {  	_ =	sfence.sel $0x180000  }
0x57: {  	[bflag:$0x0] =	sbarrier.arrive $0xFFFF  }
0x58: {  	p0 =	sne.s32 s0, $0x0;
	_ =	strace $0x90000047  }
0x59: {  	s0 =	sadd.s32 @!p0 $0x100000, s1;
	[bflag:$0x2] =	sbarrier.arrive $0xFFFF  }
0x5a: {  	[sflag:s0] =	ssyncadd.tile.s32 @!p0 $0x1;
	_ =	shalt  }
.Lfunc_end2:
_tile_overlayer_lowered:
.L_overlay_start_2:
0x5b: {  	(tag) =	ssettag $0x2  }
0x5c: {  	s0 =	rddreg [dreg:$0x0];
	s2 =	stileid.u32  }
0x5d: {  	s1 =	rddreg [dreg:$0x1];
	p0 =	sne.s32 s2, $0x0  }
0x5e: {  	s3 =	rddreg [dreg:$0x2];
	[bflag:$0x3] =	sbarrier.arrive $0xFFFF;
	s2 =	simm.s32 @!p0 $0x1C02  }
0x5f: {  	[timem:s3], [sflag:s2] =	dma.local @!p0 [hbm:s0], s1  }
0x60: {  	s0 =	simm.s32 @!p0 $0x2  }
0x61: {  	_ =	swait.ge @!p0 [sflag:s0], s1  }
0x62: {  	s1 =	ssub.s32 @!p0 $0x0, s1;
	[sflag:s0] =	ssyncset.done @!p0 $0x0  }
0x63: {  	[sflag:s0] =	ssyncadd.s32 @!p0 s1  }
0x64: {  	[bflag:$0x3] =	sbarrier.arrive $0xFFFF  }
0x65: {  	_ =	shalt  }

</sc_bundles>
